<compile_context>
chip_gen: v7x
topology: tpu7x:2x2x1
jax: 0.10.2.dev20260603
libtpu: 0.0.44.dev20260713+nightly
codegen_flags: <defaults>
</compile_context>

<pallas_src>
import functools

import jax
import jax.numpy as jnp
from jax import lax
from jax.experimental import pallas as pl
from jax.experimental.pallas import tpu as pltpu
from jax.experimental.pallas import tpu_sc as plsc

_VT = 4096
_BT = 32
_NEG = -1e30


def _gather_embeddings(emb8, idx_flat, d):
    info = plsc.get_sparse_core_info()
    nw = info.num_cores * info.num_subcores
    n = idx_flat.shape[0]
    per_w = n // nw
    rpg = 128 // d
    sh = rpg.bit_length() - 1
    chunks = per_w // 16
    mesh = plsc.VectorSubcoreMesh(core_axis_name="c", subcore_axis_name="s")

    @functools.partial(
        pl.kernel,
        mesh=mesh,
        out_type=jax.ShapeDtypeStruct((n, 128), emb8.dtype),
        scratch_types=[
            pltpu.VMEM((per_w,), jnp.int32),
            pltpu.VMEM((per_w,), jnp.int32),
            pltpu.VMEM((per_w, 128), emb8.dtype),
            pltpu.SemaphoreType.DMA,
        ],
    )
    def gather(table_hbm, idx_hbm, out_hbm, idx_v, g_v, rows_v, sem):
        wid = lax.axis_index("s") * info.num_cores + lax.axis_index("c")
        base = wid * per_w
        pltpu.sync_copy(idx_hbm.at[pl.ds(base, per_w)], idx_v)
        for c in range(chunks):
            g_v[pl.ds(c * 16, 16)] = jnp.right_shift(idx_v[pl.ds(c * 16, 16)], sh)
        pltpu.async_copy(table_hbm.at[g_v], rows_v, sem).wait()
        pltpu.sync_copy(rows_v, out_hbm.at[pl.ds(base, per_w)])

    return gather(emb8, idx_flat)


def _select_body(idx_ref, e8_ref, out_ref):
    d = out_ref.shape[1]
    rpg = 128 // d
    sub = jnp.bitwise_and(idx_ref[...], rpg - 1)
    acc = jnp.zeros(out_ref.shape, jnp.float32)
    for s in range(rpg):
        m = (sub == s).astype(jnp.float32)
        acc = acc + m * e8_ref[:, s * d:(s + 1) * d]
    out_ref[...] = acc


def _lse_body(e_ref, wt_ref, lse_ref, m_scr, s_scr, l1_scr, *, kdim):
    j = pl.program_id(0)
    nj = pl.num_programs(0)

    @pl.when(j == 0)
    def _init():
        l1_scr[...] = jnp.sum(
            jnp.abs(e_ref[:, :kdim].astype(jnp.float32)), axis=1, keepdims=True)
        m_scr[...] = jnp.full(m_scr.shape, _NEG, jnp.float32)
        s_scr[...] = jnp.zeros(s_scr.shape, jnp.float32)

    logits = lax.dot_general(e_ref[...], wt_ref[...],
                             (((1,), (0,)), ((), ())),
                             preferred_element_type=jnp.float32)
    wmax = jnp.max(jnp.abs(wt_ref[:kdim, :].astype(jnp.float32)))
    bmax = jnp.max(wt_ref[kdim:kdim + 1, :].astype(jnp.float32))
    m_j = l1_scr[...] * wmax + bmax
    m_prev = m_scr[...]
    m_new = jnp.maximum(m_prev, m_j)
    s_scr[...] = (s_scr[...] * jnp.exp(m_prev - m_new)
                  + jnp.sum(jnp.exp(logits - m_new), axis=1, keepdims=True))
    m_scr[...] = m_new

    @pl.when(j == nj - 1)
    def _fin():
        lse_ref[...] = m_scr[...] + jnp.log(s_scr[...])


def _out_body(e_ref, wt_ref, lse_ref, y_ref):
    logits = lax.dot_general(e_ref[...], wt_ref[...],
                             (((1,), (0,)), ((), ())),
                             preferred_element_type=jnp.float32)
    y_ref[...] = logits - lse_ref[...]


def kernel(x, emb, W, b):
    bsz, ctx = x.shape
    v, d = emb.shape
    k = ctx * d

    idx = x.reshape(-1).astype(jnp.int32)
    n = bsz * ctx
    emb8 = emb.reshape(v * d // 128, 128)
    e8 = _gather_embeddings(emb8, idx, d)
    esel = pl.pallas_call(
        _select_body,
        in_specs=[
            pl.BlockSpec((n, 1), lambda: (0, 0)),
            pl.BlockSpec((n, 128), lambda: (0, 0)),
        ],
        out_specs=pl.BlockSpec((n, d), lambda: (0, 0)),
        out_shape=jax.ShapeDtypeStruct((n, d), jnp.float32),
    )(idx.reshape(n, 1), e8)
    e = esel.reshape(bsz, k)

    nj = pl.cdiv(v, _VT)
    vpad = nj * _VT
    kp = ((k + 1 + 15) // 16) * 16
    wt = jnp.concatenate([
        jnp.pad(W, ((0, vpad - v), (0, 0))).T,
        jnp.pad(b, (0, vpad - v), constant_values=_NEG).reshape(1, vpad),
        jnp.zeros((kp - k - 1, vpad), jnp.float32),
    ], axis=0).astype(jnp.bfloat16)
    ep = jnp.concatenate([
        e.astype(jnp.bfloat16),
        jnp.ones((bsz, 1), jnp.bfloat16),
        jnp.zeros((bsz, kp - k - 1), jnp.bfloat16),
    ], axis=1)

    lse = pl.pallas_call(
        functools.partial(_lse_body, kdim=k),
        grid=(nj,),
        in_specs=[
            pl.BlockSpec((bsz, kp), lambda j: (0, 0)),
            pl.BlockSpec((kp, _VT), lambda j: (0, j)),
        ],
        out_specs=pl.BlockSpec((bsz, 1), lambda j: (0, 0)),
        out_shape=jax.ShapeDtypeStruct((bsz, 1), jnp.float32),
        scratch_shapes=[
            pltpu.VMEM((bsz, 1), jnp.float32),
            pltpu.VMEM((bsz, 1), jnp.float32),
            pltpu.VMEM((bsz, 1), jnp.float32),
        ],
    )(ep, wt)

    y = pl.pallas_call(
        _out_body,
        grid=(bsz // _BT,),
        in_specs=[
            pl.BlockSpec((_BT, kp), lambda i: (i, 0)),
            pl.BlockSpec((kp, vpad), lambda i: (0, 0)),
            pl.BlockSpec((_BT, 1), lambda i: (i, 0)),
        ],
        out_specs=pl.BlockSpec((_BT, vpad), lambda i: (i, 0)),
        out_shape=jax.ShapeDtypeStruct((bsz, v), jnp.float32),
    )(ep, wt, lse)
    return y

# --- scband reference (transcript-rebuilt; emitter-appended) ---
"""Pipeline reference for scband-cbow-71768903516863 (READ-ONLY COPY).

The authoritative reference and input builder live on the scoring server;
editing this copy changes nothing except your own understanding.
"""

import jax, jax.numpy as jnp
import numpy as np

VOCAB = 100000
EMBED_DIM = 16
CONTEXT = 2
BATCH = 1024

def setup_inputs(seed: int = 0) -> dict:
    key = jax.random.key(seed)
    k1, k2, k3, k4 = jax.random.split(key, 4)
    x = jax.random.randint(k1, (BATCH, CONTEXT), 0, VOCAB, dtype=jnp.int64 if jax.config.jax_enable_x64 else jnp.int32)
    emb = jax.random.normal(k2, (VOCAB, EMBED_DIM), dtype=jnp.float32)
    # nn.Linear(context*embed_dim, vocab): weight [vocab, context*embed_dim], bias [vocab]
    in_dim = CONTEXT * EMBED_DIM
    bound = 1.0 / np.sqrt(in_dim)
    W = jax.random.uniform(k3, (VOCAB, in_dim), minval=-bound, maxval=bound, dtype=jnp.float32)
    b = jax.random.uniform(k4, (VOCAB,), minval=-bound, maxval=bound, dtype=jnp.float32)
    return {"x": x, "emb": emb, "W": W, "b": b}

def reference(x, emb, W, b):
    # embedding lookup: gather rows of emb
    embeds = jnp.take(emb, x, axis=0)  # [B, context, embed_dim]
    embeds = embeds.reshape(-1, CONTEXT * EMBED_DIM)  # [B, context*embed_dim]
    logits = embeds @ W.T + b  # [B, vocab]
    y = jax.nn.log_softmax(logits, axis=1)
    return y

if __name__ == "__main__":
    import jax
    _d = setup_inputs()
    print(jax.jit(kernel)(*tuple(_d.values())))

</pallas_src>

<mosaic_0001>
#map = affine_map<(d0, d1) -> (0, 0)>
#map1 = affine_map<(d0, d1) -> (0)>
module attributes {stable_mosaic.version = 14 : i64} {
  func.func @gather(%arg0: i32, %arg1: i32, %arg2: memref<12500x128xf32, #tpu.memory_space<hbm>>, %arg3: memref<2048xi32, #tpu.memory_space<hbm>>, %arg4: memref<2048x128xf32, #tpu.memory_space<hbm>>, %arg5: memref<64xi32, #tpu.memory_space<vmem>>, %arg6: memref<64xi32, #tpu.memory_space<vmem>>, %arg7: memref<64x128xf32, #tpu.memory_space<vmem>>, %arg8: memref<!tpu.dma_semaphore, #tpu.memory_space<semaphore_mem>>) attributes {dimension_semantics = [#tpu.dimension_semantics<core_parallel>, #tpu.dimension_semantics<subcore_parallel>], iteration_bounds = array<i64: 2, 16>, scalar_prefetch = 0 : i64, scratch_operands = 4 : i64, tpu.core_type = #tpu.core_type<sc_vector_subcore>, window_params = [{transform_indices = #map}, {transform_indices = #map1}, {transform_indices = #map}]} {
    %mul3A = arith.constant 2 : i32
    %mul3A_0 = arith.muli %arg1, %mul3A : i32
    %add3A = arith.addi %mul3A_0, %arg0 : i32
    %mul3A_1 = arith.constant 64 : i32
    %mul3A_2 = arith.muli %add3A, %mul3A_1 : i32
    "tpu.region"() ({
      %run_scoped3A = tpu.sem_alloc : memref<!tpu.dma_semaphore, #tpu.memory_space<semaphore_mem>>
      %dma_start3A_44 = tpu.memref_slice %arg3[%mul3A_2] : memref<2048xi32, #tpu.memory_space<hbm>> -> memref<64xi32, #tpu.memory_space<hbm>>
      %dma_start3A_45 = tpu.memref_slice %arg3[%mul3A_2] : memref<2048xi32, #tpu.memory_space<hbm>> -> memref<64xi32, #tpu.memory_space<hbm>>
      tpu.enqueue_dma source(%dma_start3A_45 : memref<64xi32, #tpu.memory_space<hbm>>) target(%arg5 : memref<64xi32, #tpu.memory_space<vmem>>) target_semaphore(%run_scoped3A : memref<!tpu.dma_semaphore, #tpu.memory_space<semaphore_mem>>)
      %dma_wait3A_46 = tpu.memref_slice %arg3[%mul3A_2] : memref<2048xi32, #tpu.memory_space<hbm>> -> memref<64xi32, #tpu.memory_space<hbm>>
      %dma_wait3A_47 = tpu.memref_slice %arg3[%mul3A_2] : memref<2048xi32, #tpu.memory_space<hbm>> -> memref<64xi32, #tpu.memory_space<hbm>>
      tpu.wait_dma2 semaphore(%run_scoped3A : memref<!tpu.dma_semaphore, #tpu.memory_space<semaphore_mem>>) src(%dma_wait3A_47 : memref<64xi32, #tpu.memory_space<hbm>>) dst(%arg5 : memref<64xi32, #tpu.memory_space<vmem>>)
      tpu.yield
    }) : () -> ()
    %get3A = arith.constant 0 : index
    %get3A_3 = tpu.vector_load %arg5[%get3A] {strides = array<i32>} : memref<64xi32, #tpu.memory_space<vmem>>, vector<16xi32>,
    %get3A_4 = vector.shape_cast %get3A_3 : vector<16xi32> to vector<16xi32>
    %shift_right_arithmetic3A = arith.constant 3 : i32
    %shift_right_arithmetic3A_5 = vector.broadcast %shift_right_arithmetic3A : i32 to vector<16xi32>
    %shift_right_arithmetic3A_6 = arith.shrsi %get3A_4, %shift_right_arithmetic3A_5 : vector<16xi32>
    %swap3A = arith.constant 0 : index
    %swap3A_7 = tpu.vector_load %arg6[%swap3A] {strides = array<i32>} : memref<64xi32, #tpu.memory_space<vmem>>, vector<16xi32>,
    %swap3A_8 = vector.shape_cast %swap3A_7 : vector<16xi32> to vector<16xi32>
    %swap3A_9 = vector.shape_cast %shift_right_arithmetic3A_6 : vector<16xi32> to vector<16xi32>
    tpu.vector_store %arg6[%swap3A], %swap3A_9 {strides = array<i32>} : memref<64xi32, #tpu.memory_space<vmem>>, vector<16xi32>,
    %get3A_10 = arith.constant 16 : index
    %get3A_11 = tpu.vector_load %arg5[%get3A_10] {strides = array<i32>} : memref<64xi32, #tpu.memory_space<vmem>>, vector<16xi32>,
    %get3A_12 = vector.shape_cast %get3A_11 : vector<16xi32> to vector<16xi32>
    %shift_right_arithmetic3A_13 = arith.constant 3 : i32
    %shift_right_arithmetic3A_14 = vector.broadcast %shift_right_arithmetic3A_13 : i32 to vector<16xi32>
    %shift_right_arithmetic3A_15 = arith.shrsi %get3A_12, %shift_right_arithmetic3A_14 : vector<16xi32>
    %swap3A_16 = arith.constant 16 : index
    %swap3A_17 = tpu.vector_load %arg6[%swap3A_16] {strides = array<i32>} : memref<64xi32, #tpu.memory_space<vmem>>, vector<16xi32>,
    %swap3A_18 = vector.shape_cast %swap3A_17 : vector<16xi32> to vector<16xi32>
    %swap3A_19 = vector.shape_cast %shift_right_arithmetic3A_15 : vector<16xi32> to vector<16xi32>
    tpu.vector_store %arg6[%swap3A_16], %swap3A_19 {strides = array<i32>} : memref<64xi32, #tpu.memory_space<vmem>>, vector<16xi32>,
    %get3A_20 = arith.constant 32 : index
    %get3A_21 = tpu.vector_load %arg5[%get3A_20] {strides = array<i32>} : memref<64xi32, #tpu.memory_space<vmem>>, vector<16xi32>,
    %get3A_22 = vector.shape_cast %get3A_21 : vector<16xi32> to vector<16xi32>
    %shift_right_arithmetic3A_23 = arith.constant 3 : i32
    %shift_right_arithmetic3A_24 = vector.broadcast %shift_right_arithmetic3A_23 : i32 to vector<16xi32>
    %shift_right_arithmetic3A_25 = arith.shrsi %get3A_22, %shift_right_arithmetic3A_24 : vector<16xi32>
    %swap3A_26 = arith.constant 32 : index
    %swap3A_27 = tpu.vector_load %arg6[%swap3A_26] {strides = array<i32>} : memref<64xi32, #tpu.memory_space<vmem>>, vector<16xi32>,
    %swap3A_28 = vector.shape_cast %swap3A_27 : vector<16xi32> to vector<16xi32>
    %swap3A_29 = vector.shape_cast %shift_right_arithmetic3A_25 : vector<16xi32> to vector<16xi32>
    tpu.vector_store %arg6[%swap3A_26], %swap3A_29 {strides = array<i32>} : memref<64xi32, #tpu.memory_space<vmem>>, vector<16xi32>,
    %get3A_30 = arith.constant 48 : index
    %get3A_31 = tpu.vector_load %arg5[%get3A_30] {strides = array<i32>} : memref<64xi32, #tpu.memory_space<vmem>>, vector<16xi32>,
    %get3A_32 = vector.shape_cast %get3A_31 : vector<16xi32> to vector<16xi32>
    %shift_right_arithmetic3A_33 = arith.constant 3 : i32
    %shift_right_arithmetic3A_34 = vector.broadcast %shift_right_arithmetic3A_33 : i32 to vector<16xi32>
    %shift_right_arithmetic3A_35 = arith.shrsi %get3A_32, %shift_right_arithmetic3A_34 : vector<16xi32>
    %swap3A_36 = arith.constant 48 : index
    %swap3A_37 = tpu.vector_load %arg6[%swap3A_36] {strides = array<i32>} : memref<64xi32, #tpu.memory_space<vmem>>, vector<16xi32>,
    %swap3A_38 = vector.shape_cast %swap3A_37 : vector<16xi32> to vector<16xi32>
    %swap3A_39 = vector.shape_cast %shift_right_arithmetic3A_35 : vector<16xi32> to vector<16xi32>
    tpu.vector_store %arg6[%swap3A_36], %swap3A_39 {strides = array<i32>} : memref<64xi32, #tpu.memory_space<vmem>>, vector<16xi32>,
    %dma_start3A = arith.constant 0 : i32
    %dma_start3A_40 = arith.constant 0 : i32
    %dma_start3A_41 = tpu.memref_slice %arg2[%dma_start3A, %dma_start3A_40] : memref<12500x128xf32, #tpu.memory_space<hbm>> -> memref<12500x128xf32, #tpu.memory_space<hbm>>
    tpu.enqueue_indirect_dma source(%dma_start3A_41 : memref<12500x128xf32, #tpu.memory_space<hbm>>) target(%arg7 : memref<64x128xf32, #tpu.memory_space<vmem>>) offsets(%arg6 : memref<64xi32, #tpu.memory_space<vmem>>) semaphore(%arg8 : memref<!tpu.dma_semaphore, #tpu.memory_space<semaphore_mem>>)
    %dma_wait3A = arith.constant 0 : i32
    %dma_wait3A_42 = arith.constant 0 : i32
    %dma_wait3A_43 = tpu.memref_slice %arg2[%dma_wait3A, %dma_wait3A_42] : memref<12500x128xf32, #tpu.memory_space<hbm>> -> memref<12500x128xf32, #tpu.memory_space<hbm>>
    tpu.wait_indirect_dma semaphore(%arg8 : memref<!tpu.dma_semaphore, #tpu.memory_space<semaphore_mem>>) src(%dma_wait3A_43 : memref<12500x128xf32, #tpu.memory_space<hbm>>) dst(%arg7 : memref<64x128xf32, #tpu.memory_space<vmem>>)
    "tpu.region"() ({
      %run_scoped3A = tpu.sem_alloc : memref<!tpu.dma_semaphore, #tpu.memory_space<semaphore_mem>>
      %dma_start3A_44 = arith.constant 0 : i32
      %dma_start3A_45 = tpu.memref_slice %arg4[%mul3A_2, %dma_start3A_44] : memref<2048x128xf32, #tpu.memory_space<hbm>> -> memref<64x128xf32, #tpu.memory_space<hbm>>
      %dma_start3A_46 = arith.constant 0 : i32
      %dma_start3A_47 = tpu.memref_slice %arg4[%mul3A_2, %dma_start3A_46] : memref<2048x128xf32, #tpu.memory_space<hbm>> -> memref<64x128xf32, #tpu.memory_space<hbm>>
      tpu.enqueue_dma source(%arg7 : memref<64x128xf32, #tpu.memory_space<vmem>>) target(%dma_start3A_47 : memref<64x128xf32, #tpu.memory_space<hbm>>) target_semaphore(%run_scoped3A : memref<!tpu.dma_semaphore, #tpu.memory_space<semaphore_mem>>)
      %dma_wait3A_48 = arith.constant 0 : i32
      %dma_wait3A_49 = tpu.memref_slice %arg4[%mul3A_2, %dma_wait3A_48] : memref<2048x128xf32, #tpu.memory_space<hbm>> -> memref<64x128xf32, #tpu.memory_space<hbm>>
      %dma_wait3A_50 = arith.constant 0 : i32
      %dma_wait3A_51 = tpu.memref_slice %arg4[%mul3A_2, %dma_wait3A_50] : memref<2048x128xf32, #tpu.memory_space<hbm>> -> memref<64x128xf32, #tpu.memory_space<hbm>>
      tpu.wait_dma2 semaphore(%run_scoped3A : memref<!tpu.dma_semaphore, #tpu.memory_space<semaphore_mem>>) src(%arg7 : memref<64x128xf32, #tpu.memory_space<vmem>>) dst(%dma_wait3A_51 : memref<64x128xf32, #tpu.memory_space<hbm>>)
      tpu.yield
    }) : () -> ()
    return
  }
}

module attributes {stable_mosaic.version = 14 : i64} {
  func.func @_select_body(%arg0: memref<2048x1xi32, #tpu.memory_space<vmem>>, %arg1: memref<2048x128xf32, #tpu.memory_space<vmem>>, %arg2: memref<2048x16xf32, #tpu.memory_space<vmem>>) attributes {dimension_semantics = [], scalar_prefetch = 0 : i64, scratch_operands = 0 : i64, tpu.core_type = #tpu.core_type<tc>} {
    %get3A = arith.constant 0 : index
    %get3A_0 = arith.constant 0 : index
    %get3A_1 = vector.load %arg0[%get3A, %get3A_0] : memref<2048x1xi32, #tpu.memory_space<vmem>>, vector<2048x1xi32>
    %and3A = arith.constant 7 : i32
    %and3A_2 = vector.broadcast %and3A : i32 to vector<2048x1xi32>
    %and3A_3 = arith.andi %get3A_1, %and3A_2 : vector<2048x1xi32>
    %broadcast_in_dim3A = arith.constant 0.000000e+00 : f32
    %broadcast_in_dim3A_4 = vector.broadcast %broadcast_in_dim3A : f32 to vector<2048x16xf32>
    %eq3A = arith.constant 0 : i32
    %eq3A_5 = vector.broadcast %eq3A : i32 to vector<2048x1xi32>
    %eq3A_6 = arith.cmpi eq, %and3A_3, %eq3A_5 : vector<2048x1xi32>
    %convert_element_type3A = arith.extui %eq3A_6 : vector<2048x1xi1> to vector<2048x1xi32>
    %convert_element_type3A_7 = arith.sitofp %convert_element_type3A : vector<2048x1xi32> to vector<2048x1xf32>
    %get3A_8 = arith.constant 0 : index
    %get3A_9 = arith.constant 0 : index
    %get3A_10 = vector.load %arg1[%get3A_8, %get3A_9] : memref<2048x128xf32, #tpu.memory_space<vmem>>, vector<2048x16xf32>
    %mul3A = vector.broadcast %convert_element_type3A_7 : vector<2048x1xf32> to vector<2048x16xf32>
    %mul3A_11 = arith.mulf %mul3A, %get3A_10 : vector<2048x16xf32>
    %add3A = arith.addf %broadcast_in_dim3A_4, %mul3A_11 : vector<2048x16xf32>
    %eq3A_12 = arith.constant 1 : i32
    %eq3A_13 = vector.broadcast %eq3A_12 : i32 to vector<2048x1xi32>
    %eq3A_14 = arith.cmpi eq, %and3A_3, %eq3A_13 : vector<2048x1xi32>
    %convert_element_type3A_15 = arith.extui %eq3A_14 : vector<2048x1xi1> to vector<2048x1xi32>
    %convert_element_type3A_16 = arith.sitofp %convert_element_type3A_15 : vector<2048x1xi32> to vector<2048x1xf32>
    %get3A_17 = arith.constant 0 : index
    %get3A_18 = arith.constant 16 : index
    %get3A_19 = vector.load %arg1[%get3A_17, %get3A_18] : memref<2048x128xf32, #tpu.memory_space<vmem>>, vector<2048x16xf32>
    %mul3A_20 = vector.broadcast %convert_element_type3A_16 : vector<2048x1xf32> to vector<2048x16xf32>
    %mul3A_21 = arith.mulf %mul3A_20, %get3A_19 : vector<2048x16xf32>
    %add3A_22 = arith.addf %add3A, %mul3A_21 : vector<2048x16xf32>
    %eq3A_23 = arith.constant 2 : i32
    %eq3A_24 = vector.broadcast %eq3A_23 : i32 to vector<2048x1xi32>
    %eq3A_25 = arith.cmpi eq, %and3A_3, %eq3A_24 : vector<2048x1xi32>
    %convert_element_type3A_26 = arith.extui %eq3A_25 : vector<2048x1xi1> to vector<2048x1xi32>
    %convert_element_type3A_27 = arith.sitofp %convert_element_type3A_26 : vector<2048x1xi32> to vector<2048x1xf32>
    %get3A_28 = arith.constant 0 : index
    %get3A_29 = arith.constant 32 : index
    %get3A_30 = vector.load %arg1[%get3A_28, %get3A_29] : memref<2048x128xf32, #tpu.memory_space<vmem>>, vector<2048x16xf32>
    %mul3A_31 = vector.broadcast %convert_element_type3A_27 : vector<2048x1xf32> to vector<2048x16xf32>
    %mul3A_32 = arith.mulf %mul3A_31, %get3A_30 : vector<2048x16xf32>
    %add3A_33 = arith.addf %add3A_22, %mul3A_32 : vector<2048x16xf32>
    %eq3A_34 = arith.constant 3 : i32
    %eq3A_35 = vector.broadcast %eq3A_34 : i32 to vector<2048x1xi32>
    %eq3A_36 = arith.cmpi eq, %and3A_3, %eq3A_35 : vector<2048x1xi32>
    %convert_element_type3A_37 = arith.extui %eq3A_36 : vector<2048x1xi1> to vector<2048x1xi32>
    %convert_element_type3A_38 = arith.sitofp %convert_element_type3A_37 : vector<2048x1xi32> to vector<2048x1xf32>
    %get3A_39 = arith.constant 0 : index
    %get3A_40 = arith.constant 48 : index
    %get3A_41 = vector.load %arg1[%get3A_39, %get3A_40] : memref<2048x128xf32, #tpu.memory_space<vmem>>, vector<2048x16xf32>
    %mul3A_42 = vector.broadcast %convert_element_type3A_38 : vector<2048x1xf32> to vector<2048x16xf32>
    %mul3A_43 = arith.mulf %mul3A_42, %get3A_41 : vector<2048x16xf32>
    %add3A_44 = arith.addf %add3A_33, %mul3A_43 : vector<2048x16xf32>
    %eq3A_45 = arith.constant 4 : i32
    %eq3A_46 = vector.broadcast %eq3A_45 : i32 to vector<2048x1xi32>
    %eq3A_47 = arith.cmpi eq, %and3A_3, %eq3A_46 : vector<2048x1xi32>
    %convert_element_type3A_48 = arith.extui %eq3A_47 : vector<2048x1xi1> to vector<2048x1xi32>
    %convert_element_type3A_49 = arith.sitofp %convert_element_type3A_48 : vector<2048x1xi32> to vector<2048x1xf32>
    %get3A_50 = arith.constant 0 : index
    %get3A_51 = arith.constant 64 : index
    %get3A_52 = vector.load %arg1[%get3A_50, %get3A_51] : memref<2048x128xf32, #tpu.memory_space<vmem>>, vector<2048x16xf32>
    %mul3A_53 = vector.broadcast %convert_element_type3A_49 : vector<2048x1xf32> to vector<2048x16xf32>
    %mul3A_54 = arith.mulf %mul3A_53, %get3A_52 : vector<2048x16xf32>
    %add3A_55 = arith.addf %add3A_44, %mul3A_54 : vector<2048x16xf32>
    %eq3A_56 = arith.constant 5 : i32
    %eq3A_57 = vector.broadcast %eq3A_56 : i32 to vector<2048x1xi32>
    %eq3A_58 = arith.cmpi eq, %and3A_3, %eq3A_57 : vector<2048x1xi32>
    %convert_element_type3A_59 = arith.extui %eq3A_58 : vector<2048x1xi1> to vector<2048x1xi32>
    %convert_element_type3A_60 = arith.sitofp %convert_element_type3A_59 : vector<2048x1xi32> to vector<2048x1xf32>
    %get3A_61 = arith.constant 0 : index
    %get3A_62 = arith.constant 80 : index
    %get3A_63 = vector.load %arg1[%get3A_61, %get3A_62] : memref<2048x128xf32, #tpu.memory_space<vmem>>, vector<2048x16xf32>
    %mul3A_64 = vector.broadcast %convert_element_type3A_60 : vector<2048x1xf32> to vector<2048x16xf32>
    %mul3A_65 = arith.mulf %mul3A_64, %get3A_63 : vector<2048x16xf32>
    %add3A_66 = arith.addf %add3A_55, %mul3A_65 : vector<2048x16xf32>
    %eq3A_67 = arith.constant 6 : i32
    %eq3A_68 = vector.broadcast %eq3A_67 : i32 to vector<2048x1xi32>
    %eq3A_69 = arith.cmpi eq, %and3A_3, %eq3A_68 : vector<2048x1xi32>
    %convert_element_type3A_70 = arith.extui %eq3A_69 : vector<2048x1xi1> to vector<2048x1xi32>
    %convert_element_type3A_71 = arith.sitofp %convert_element_type3A_70 : vector<2048x1xi32> to vector<2048x1xf32>
    %get3A_72 = arith.constant 0 : index
    %get3A_73 = arith.constant 96 : index
    %get3A_74 = vector.load %arg1[%get3A_72, %get3A_73] : memref<2048x128xf32, #tpu.memory_space<vmem>>, vector<2048x16xf32>
    %mul3A_75 = vector.broadcast %convert_element_type3A_71 : vector<2048x1xf32> to vector<2048x16xf32>
    %mul3A_76 = arith.mulf %mul3A_75, %get3A_74 : vector<2048x16xf32>
    %add3A_77 = arith.addf %add3A_66, %mul3A_76 : vector<2048x16xf32>
    %eq3A_78 = arith.constant 7 : i32
    %eq3A_79 = vector.broadcast %eq3A_78 : i32 to vector<2048x1xi32>
    %eq3A_80 = arith.cmpi eq, %and3A_3, %eq3A_79 : vector<2048x1xi32>
    %convert_element_type3A_81 = arith.extui %eq3A_80 : vector<2048x1xi1> to vector<2048x1xi32>
    %convert_element_type3A_82 = arith.sitofp %convert_element_type3A_81 : vector<2048x1xi32> to vector<2048x1xf32>
    %get3A_83 = arith.constant 0 : index
    %get3A_84 = arith.constant 112 : index
    %get3A_85 = vector.load %arg1[%get3A_83, %get3A_84] : memref<2048x128xf32, #tpu.memory_space<vmem>>, vector<2048x16xf32>
    %mul3A_86 = vector.broadcast %convert_element_type3A_82 : vector<2048x1xf32> to vector<2048x16xf32>
    %mul3A_87 = arith.mulf %mul3A_86, %get3A_85 : vector<2048x16xf32>
    %add3A_88 = arith.addf %add3A_77, %mul3A_87 : vector<2048x16xf32>
    %swap3A = arith.constant 0 : index
    %swap3A_89 = arith.constant 0 : index
    %swap3A_90 = vector.load %arg2[%swap3A, %swap3A_89] : memref<2048x16xf32, #tpu.memory_space<vmem>>, vector<2048x16xf32>
    tpu.vector_store %arg2[%swap3A, %swap3A_89], %add3A_88 {strides = array<i32>} : memref<2048x16xf32, #tpu.memory_space<vmem>>, vector<2048x16xf32>,
    return
  }
}

module attributes {stable_mosaic.version = 14 : i64} {
  func.func @_lse_body(%arg0: i32, %arg1: memref<1024x48xbf16, #tpu.memory_space<vmem>>, %arg2: memref<48x4096xbf16, #tpu.memory_space<vmem>>, %arg3: memref<1024x1xf32, #tpu.memory_space<vmem>>, %arg4: memref<1024x1xf32, #tpu.memory_space<vmem>>, %arg5: memref<1024x1xf32, #tpu.memory_space<vmem>>, %arg6: memref<1024x1xf32, #tpu.memory_space<vmem>>) attributes {dimension_semantics = [#tpu.dimension_semantics<arbitrary>], iteration_bounds = array<i64: 25>, scalar_prefetch = 0 : i64, scratch_operands = 3 : i64, tpu.core_type = #tpu.core_type<tc>, window_params = [{pipeline_mode = #tpu.pipeline_mode<synchronous>, transform_indices = @transform_0, window_bounds = array<i64: 1024, 48>}, {transform_indices = @transform_1, window_bounds = array<i64: 48, 4096>}, {pipeline_mode = #tpu.pipeline_mode<synchronous>, transform_indices = @transform_2, window_bounds = array<i64: 1024, 1>}]} {
    %eq3A = arith.constant 0 : i32
    %eq3A_0 = arith.cmpi eq, %arg0, %eq3A : i32
    %convert_element_type3A = arith.extui %eq3A_0 : i1 to i32
    %cond3A = arith.constant 0 : i32
    %cond3A_1 = arith.cmpi ne, %convert_element_type3A, %cond3A : i32
    scf.if %cond3A_1 {
      %get3A_52 = arith.constant 0 : index
      %get3A_53 = arith.constant 0 : index
      %get3A_54 = vector.load %arg1[%get3A_52, %get3A_53] : memref<1024x48xbf16, #tpu.memory_space<vmem>>, vector<1024x32xbf16>
      %convert_element_type3A_55 = arith.extf %get3A_54 : vector<1024x32xbf16> to vector<1024x32xf32>
      %abs3A_56 = math.absf %convert_element_type3A_55 : vector<1024x32xf32>
      %reduce_sum3A_57 = arith.constant dense<0.000000e+00> : vector<1024xf32>
      %reduce_sum3A_58 = vector.multi_reduction <add>, %abs3A_56, %reduce_sum3A_57 [1] : vector<1024x32xf32> to vector<1024xf32>
      %broadcast_in_dim3A_59 = vector.shape_cast %reduce_sum3A_58 : vector<1024xf32> to vector<1024x1xf32>
      %swap3A_60 = arith.constant 0 : index
      %swap3A_61 = arith.constant 0 : index
      %swap3A_62 = vector.load %arg6[%swap3A_60, %swap3A_61] : memref<1024x1xf32, #tpu.memory_space<vmem>>, vector<1024x1xf32>
      tpu.vector_store %arg6[%swap3A_60, %swap3A_61], %broadcast_in_dim3A_59 {strides = array<i32>} : memref<1024x1xf32, #tpu.memory_space<vmem>>, vector<1024x1xf32>,
      %broadcast_in_dim3A_63 = arith.constant -1.000000e+30 : f32
      %broadcast_in_dim3A_64 = vector.broadcast %broadcast_in_dim3A_63 : f32 to vector<1024x1xf32>
      %swap3A_65 = arith.constant 0 : index
      %swap3A_66 = arith.constant 0 : index
      %swap3A_67 = vector.load %arg4[%swap3A_65, %swap3A_66] : memref<1024x1xf32, #tpu.memory_space<vmem>>, vector<1024x1xf32>
      tpu.vector_store %arg4[%swap3A_65, %swap3A_66], %broadcast_in_dim3A_64 {strides = array<i32>} : memref<1024x1xf32, #tpu.memory_space<vmem>>, vector<1024x1xf32>,
      %broadcast_in_dim3A_68 = arith.constant 0.000000e+00 : f32
      %broadcast_in_dim3A_69 = vector.broadcast %broadcast_in_dim3A_68 : f32 to vector<1024x1xf32>
      %swap3A_70 = arith.constant 0 : index
      %swap3A_71 = arith.constant 0 : index
      %swap3A_72 = vector.load %arg5[%swap3A_70, %swap3A_71] : memref<1024x1xf32, #tpu.memory_space<vmem>>, vector<1024x1xf32>
      tpu.vector_store %arg5[%swap3A_70, %swap3A_71], %broadcast_in_dim3A_69 {strides = array<i32>} : memref<1024x1xf32, #tpu.memory_space<vmem>>, vector<1024x1xf32>,
    } else {
    }
    %get3A = arith.constant 0 : index
    %get3A_2 = arith.constant 0 : index
    %get3A_3 = vector.load %arg1[%get3A, %get3A_2] : memref<1024x48xbf16, #tpu.memory_space<vmem>>, vector<1024x48xbf16>
    %get3A_4 = arith.constant 0 : index
    %get3A_5 = arith.constant 0 : index
    %get3A_6 = vector.load %arg2[%get3A_4, %get3A_5] : memref<48x4096xbf16, #tpu.memory_space<vmem>>, vector<48x4096xbf16>
    %dot_general3A = arith.constant dense<0.000000e+00> : vector<1024x4096xf32>
    %dot_general3A_7 = tpu.matmul %get3A_3, %get3A_6, %dot_general3A {dimension_numbers = #tpu.dot_dimension_numbers<[1], [0], [0], [1], [0, 0, 1, 1], [], []>, transpose_lhs_hint = false} : vector<1024x48xbf16>, vector<48x4096xbf16>, vector<1024x4096xf32> -> vector<1024x4096xf32>
    %get3A_8 = arith.constant 0 : index
    %get3A_9 = arith.constant 0 : index
    %get3A_10 = vector.load %arg2[%get3A_8, %get3A_9] : memref<48x4096xbf16, #tpu.memory_space<vmem>>, vector<32x4096xbf16>
    %convert_element_type3A_11 = arith.extf %get3A_10 : vector<32x4096xbf16> to vector<32x4096xf32>
    %abs3A = math.absf %convert_element_type3A_11 : vector<32x4096xf32>
    %reduce_max3A = vector.shape_cast %abs3A : vector<32x4096xf32> to vector<1x32x4096xf32>
    %reduce_max3A_12 = arith.constant dense<0xFF800000> : vector<1xf32>
    %reduce_max3A_13 = vector.multi_reduction <maximumf>, %reduce_max3A, %reduce_max3A_12 [1, 2] : vector<1x32x4096xf32> to vector<1xf32>
    %reduce_max3A_14 = vector.shape_cast %reduce_max3A_13 : vector<1xf32> to vector<1x1x1xf32>
    %reduce_max3A_15 = vector.extract %reduce_max3A_14[0, 0, 0] : f32 from vector<1x1x1xf32>
    %get3A_16 = arith.constant 32 : index
    %get3A_17 = arith.constant 0 : index
    %get3A_18 = vector.load %arg2[%get3A_16, %get3A_17] : memref<48x4096xbf16, #tpu.memory_space<vmem>>, vector<1x4096xbf16>
    %convert_element_type3A_19 = arith.extf %get3A_18 : vector<1x4096xbf16> to vector<1x4096xf32>
    %reduce_max3A_20 = vector.shape_cast %convert_element_type3A_19 : vector<1x4096xf32> to vector<1x1x4096xf32>
    %reduce_max3A_21 = arith.constant dense<0xFF800000> : vector<1xf32>
    %reduce_max3A_22 = vector.multi_reduction <maximumf>, %reduce_max3A_20, %reduce_max3A_21 [1, 2] : vector<1x1x4096xf32> to vector<1xf32>
    %reduce_max3A_23 = vector.shape_cast %reduce_max3A_22 : vector<1xf32> to vector<1x1x1xf32>
    %reduce_max3A_24 = vector.extract %reduce_max3A_23[0, 0, 0] : f32 from vector<1x1x1xf32>
    %get3A_25 = arith.constant 0 : index
    %get3A_26 = arith.constant 0 : index
    %get3A_27 = vector.load %arg6[%get3A_25, %get3A_26] : memref<1024x1xf32, #tpu.memory_space<vmem>>, vector<1024x1xf32>
    %mul3A = vector.broadcast %reduce_max3A_15 : f32 to vector<1024x1xf32>
    %mul3A_28 = arith.mulf %get3A_27, %mul3A : vector<1024x1xf32>
    %add3A = vector.broadcast %reduce_max3A_24 : f32 to vector<1024x1xf32>
    %add3A_29 = arith.addf %mul3A_28, %add3A : vector<1024x1xf32>
    %get3A_30 = arith.constant 0 : index
    %get3A_31 = arith.constant 0 : index
    %get3A_32 = vector.load %arg4[%get3A_30, %get3A_31] : memref<1024x1xf32, #tpu.memory_space<vmem>>, vector<1024x1xf32>
    %max3A = arith.maximumf %get3A_32, %add3A_29 : vector<1024x1xf32>
    %get3A_33 = arith.constant 0 : index
    %get3A_34 = arith.constant 0 : index
    %get3A_35 = vector.load %arg5[%get3A_33, %get3A_34] : memref<1024x1xf32, #tpu.memory_space<vmem>>, vector<1024x1xf32>
    %sub3A = arith.subf %get3A_32, %max3A : vector<1024x1xf32>
    %exp3A = math.exp %sub3A : vector<1024x1xf32>
    %mul3A_36 = arith.mulf %get3A_35, %exp3A : vector<1024x1xf32>
    %sub3A_37 = vector.broadcast %max3A : vector<1024x1xf32> to vector<1024x4096xf32>
    %sub3A_38 = arith.subf %dot_general3A_7, %sub3A_37 : vector<1024x4096xf32>
    %exp3A_39 = math.exp %sub3A_38 : vector<1024x4096xf32>
    %reduce_sum3A = arith.constant dense<0.000000e+00> : vector<1024xf32>
    %reduce_sum3A_40 = vector.multi_reduction <add>, %exp3A_39, %reduce_sum3A [1] : vector<1024x4096xf32> to vector<1024xf32>
    %broadcast_in_dim3A = vector.shape_cast %reduce_sum3A_40 : vector<1024xf32> to vector<1024x1xf32>
    %add3A_41 = arith.addf %mul3A_36, %broadcast_in_dim3A : vector<1024x1xf32>
    %swap3A = arith.constant 0 : index
    %swap3A_42 = arith.constant 0 : index
    %swap3A_43 = vector.load %arg5[%swap3A, %swap3A_42] : memref<1024x1xf32, #tpu.memory_space<vmem>>, vector<1024x1xf32>
    tpu.vector_store %arg5[%swap3A, %swap3A_42], %add3A_41 {strides = array<i32>} : memref<1024x1xf32, #tpu.memory_space<vmem>>, vector<1024x1xf32>,
    %swap3A_44 = arith.constant 0 : index
    %swap3A_45 = arith.constant 0 : index
    %swap3A_46 = vector.load %arg4[%swap3A_44, %swap3A_45] : memref<1024x1xf32, #tpu.memory_space<vmem>>, vector<1024x1xf32>
    tpu.vector_store %arg4[%swap3A_44, %swap3A_45], %max3A {strides = array<i32>} : memref<1024x1xf32, #tpu.memory_space<vmem>>, vector<1024x1xf32>,
    %eq3A_47 = arith.constant 24 : i32
    %eq3A_48 = arith.cmpi eq, %arg0, %eq3A_47 : i32
    %convert_element_type3A_49 = arith.extui %eq3A_48 : i1 to i32
    %cond3A_50 = arith.constant 0 : i32
    %cond3A_51 = arith.cmpi ne, %convert_element_type3A_49, %cond3A_50 : i32
    scf.if %cond3A_51 {
      %get3A_52 = arith.constant 0 : index
      %get3A_53 = arith.constant 0 : index
      %get3A_54 = vector.load %arg4[%get3A_52, %get3A_53] : memref<1024x1xf32, #tpu.memory_space<vmem>>, vector<1024x1xf32>
      %get3A_55 = arith.constant 0 : index
      %get3A_56 = arith.constant 0 : index
      %get3A_57 = vector.load %arg5[%get3A_55, %get3A_56] : memref<1024x1xf32, #tpu.memory_space<vmem>>, vector<1024x1xf32>
      %log3A = math.log %get3A_57 : vector<1024x1xf32>
      %add3A_58 = arith.addf %get3A_54, %log3A : vector<1024x1xf32>
      %swap3A_59 = arith.constant 0 : index
      %swap3A_60 = arith.constant 0 : index
      %swap3A_61 = vector.load %arg3[%swap3A_59, %swap3A_60] : memref<1024x1xf32, #tpu.memory_space<vmem>>, vector<1024x1xf32>
      tpu.vector_store %arg3[%swap3A_59, %swap3A_60], %add3A_58 {strides = array<i32>} : memref<1024x1xf32, #tpu.memory_space<vmem>>, vector<1024x1xf32>,
    } else {
    }
    return
  }
  func.func @transform_0(%arg0: i32) -> (i32, i32) {
    %c0_i32 = arith.constant 0 : i32
    %c0_i32_0 = arith.constant 0 : i32
    %c0_i32_1 = arith.constant 0 : i32
    return %c0_i32, %c0_i32_0 : i32, i32
  }
  func.func @transform_1(%arg0: i32) -> (i32, i32) {
    %c0_i32 = arith.constant 0 : i32
    %c0_i32_0 = arith.constant 0 : i32
    return %c0_i32, %arg0 : i32, i32
  }
  func.func @transform_2(%arg0: i32) -> (i32, i32) {
    %c0_i32 = arith.constant 0 : i32
    %c0_i32_0 = arith.constant 0 : i32
    %c0_i32_1 = arith.constant 0 : i32
    return %c0_i32, %c0_i32_0 : i32, i32
  }
}

module attributes {stable_mosaic.version = 14 : i64} {
  func.func @_out_body(%arg0: i32, %arg1: memref<32x48xbf16, #tpu.memory_space<vmem>>, %arg2: memref<48x102400xbf16, #tpu.memory_space<vmem>>, %arg3: memref<32x1xf32, #tpu.memory_space<vmem>>, %arg4: memref<32x102400xf32, #tpu.memory_space<vmem>>) attributes {dimension_semantics = [#tpu.dimension_semantics<arbitrary>], iteration_bounds = array<i64: 32>, scalar_prefetch = 0 : i64, scratch_operands = 0 : i64, tpu.core_type = #tpu.core_type<tc>, window_params = [{transform_indices = @transform_0, window_bounds = array<i64: 32, 48>}, {pipeline_mode = #tpu.pipeline_mode<synchronous>, transform_indices = @transform_1, window_bounds = array<i64: 48, 102400>}, {transform_indices = @transform_2, window_bounds = array<i64: 32, 1>}, {transform_indices = @transform_3, window_bounds = array<i64: 32, 102400>}]} {
    %get3A = arith.constant 0 : index
    %get3A_0 = arith.constant 0 : index
    %get3A_1 = vector.load %arg1[%get3A, %get3A_0] : memref<32x48xbf16, #tpu.memory_space<vmem>>, vector<32x48xbf16>
    %get3A_2 = arith.constant 0 : index
    %get3A_3 = arith.constant 0 : index
    %get3A_4 = vector.load %arg2[%get3A_2, %get3A_3] : memref<48x102400xbf16, #tpu.memory_space<vmem>>, vector<48x102400xbf16>
    %dot_general3A = arith.constant dense<0.000000e+00> : vector<32x102400xf32>
    %dot_general3A_5 = tpu.matmul %get3A_1, %get3A_4, %dot_general3A {dimension_numbers = #tpu.dot_dimension_numbers<[1], [0], [0], [1], [0, 0, 1, 1], [], []>, transpose_lhs_hint = false} : vector<32x48xbf16>, vector<48x102400xbf16>, vector<32x102400xf32> -> vector<32x102400xf32>
    %get3A_6 = arith.constant 0 : index
    %get3A_7 = arith.constant 0 : index
    %get3A_8 = vector.load %arg3[%get3A_6, %get3A_7] : memref<32x1xf32, #tpu.memory_space<vmem>>, vector<32x1xf32>
    %sub3A = vector.broadcast %get3A_8 : vector<32x1xf32> to vector<32x102400xf32>
    %sub3A_9 = arith.subf %dot_general3A_5, %sub3A : vector<32x102400xf32>
    %swap3A = arith.constant 0 : index
    %swap3A_10 = arith.constant 0 : index
    %swap3A_11 = vector.load %arg4[%swap3A, %swap3A_10] : memref<32x102400xf32, #tpu.memory_space<vmem>>, vector<32x102400xf32>
    tpu.vector_store %arg4[%swap3A, %swap3A_10], %sub3A_9 {strides = array<i32>} : memref<32x102400xf32, #tpu.memory_space<vmem>>, vector<32x102400xf32>,
    return
  }
  func.func @transform_0(%arg0: i32) -> (i32, i32) {
    %c0_i32 = arith.constant 0 : i32
    %c0_i32_0 = arith.constant 0 : i32
    return %arg0, %c0_i32 : i32, i32
  }
  func.func @transform_1(%arg0: i32) -> (i32, i32) {
    %c0_i32 = arith.constant 0 : i32
    %c0_i32_0 = arith.constant 0 : i32
    %c0_i32_1 = arith.constant 0 : i32
    return %c0_i32, %c0_i32_0 : i32, i32
  }
  func.func @transform_2(%arg0: i32) -> (i32, i32) {
    %c0_i32 = arith.constant 0 : i32
    %c0_i32_0 = arith.constant 0 : i32
    return %arg0, %c0_i32 : i32, i32
  }
  func.func @transform_3(%arg0: i32) -> (i32, i32) {
    %c0_i32 = arith.constant 0 : i32
    %c0_i32_0 = arith.constant 0 : i32
    return %arg0, %c0_i32 : i32, i32
  }
}

</mosaic_0001>

<sc_bundles>
// kernel: kernel.6.cloned.1.call-start
scs
__scs_entry_jumppad:
0x0: {  	(pc) =	sbr.rel $0x88, $3  }
0x1: {  	(tag) =	ssettag $0x0;
	lr =	simm.s32 $0x1  }
0x2: {  	[smem:$0x3F9D] =	sst lr;
	_ =	strace $0xD0000000  }
0x3: {  	_ = 	snop  }
0x4: {  	_ = 	snop  }
0x5: {  	_ = 	snop  }
0x6: {  	_ = 	snop  }
0x7: {  	_ = 	snop  }
__scs_overlays_trampoline_lowered:
0x8: {  	[smem:$0x3FAC] =	sst s0  }
0x9: {  	[smem:$0x3FAD] =	sst s1  }
0xa: {  	[smem:$0x3FAE] =	sst s2  }
0xb: {  	[smem:$0x3FAF] =	sst s3  }
0xc: {  	[smem:$0x3FB0] =	sst s4  }
0xd: {  	[smem:$0x3FB1] =	sst s5  }
0xe: {  	[smem:$0x3FB2] =	sst s6  }
0xf: {  	[smem:$0x3FB3] =	sst s7  }
0x10: {  	[smem:$0x3FB4] =	sst s8  }
0x11: {  	[smem:$0x3FB5] =	sst s9;
	s0 =	simm.s32 @!p0 $0x0  }
0x12: {  	s1 =	sld [smem:$0x3F9B];
	s0 =	simm.s32 @p0 $0x1  }
0x13: {  	[smem:$0x3FB6] =	sst s0;
	s0 =	simm.s32 @!p1 $0x0  }
0x14: {  	s2 =	sld [smem:$0x3F9A];
	s0 =	simm.s32 @p1 $0x1  }
0x15: {  	[smem:$0x3FB7] =	sst s0;
	s0 =	simm.s32 @!p2 $0x0  }
0x16: {  	s3 =	sld [smem:$0x3FDB];
	s0 =	simm.s32 @p2 $0x1  }
0x17: {  	s4 =	simm.s32 $0x1BF5;
	[smem:$0x3FB9] =	sst s0  }
0x18: {  	s0 =	sld [smem:$0x3F9C];
	_ =	swait.ge [sflag:s4], $0x0  }
0x19: {  	s7 =	sld [smem:$0x3F9D]  }
0x1a: {  	s8 =	sadd.s32 $0xFFFFE003, lr  }
0x1b: {  	s9 =	sadd.s32 $0xFFFFFEF7, lr;
	s5 =	simm.s32 $0xFFFFFFFF;
	p2 =	slt.u32 s8, $0xFFFFF086  }
0x1c: {  	p1 =	slt.u32 s9, $0xF7A;
	s5 =	simm.s32 @!p2 $0x0  }
0x1d: {  	s5 =	simm.s32 @p1 $0x1;
	p0 =	seq.s32 s7, s2  }
0x1e: {  	s7 =	smul.u32 @!p0 $0xF7A, s2;
	p2 =	seq.s32 @!p0 s5, $0x0  }
0x1f: {  	s9 =	smul.u32 $0xF7A, s1;
	s8 =	simm.s32 @!p0 $0x1BF5;
	p2 =	por !p2, p0  }
0x20: {  	[sflag:s8] =	ssyncset.s32 @!p0 $0xFFFFF086;
	s6 =	sadd.s32 @!p0 s3, s7;
	s7 =	simm.s32 @!p0 $0x108  }
0x21: {  	s3 =	sadd.s32 s3, s9;
	s6 =	sadd.s32 @!p0 $0x88, s6;
	s7 =	simm.s32 @p2 $0x1082  }
0x22: {  	[simem:s7], [sflag:s8] =	dma.local @!p0 [hbm:s6], $0xF7A  }
0x23: {  	s9 =	sor.u32 $0xD0000000, s2;
	s6 =	simm.s32 $0x108;
	_ =	swait.ge @!p0 [sflag:s8], $0x0  }
0x24: {  	s3 =	sadd.s32 $0x88, s3;
	s6 =	simm.s32 @!p1 $0x1082;
	[sflag:s4] =	ssyncset.s32 $0xFFFFF086  }
0x25: {  	[simem:s6], [sflag:s4] =	dma.local [hbm:s3], $0xF7A  }
0x26: {  	[smem:$0x3F9D] =	sst s1;
	(tag) =	ssettag s2;
	_ =	strace s9  }
0x27: {  	s1 =	sld [smem:$0x3FAD]  }
0x28: {  	s2 =	sld [smem:$0x3FAE]  }
0x29: {  	s4 =	sld [smem:$0x3FB0]  }
0x2a: {  	p0 =	seq.s32 s5, $0x0;
	s5 =	sld [smem:$0x3FB1]  }
0x2b: {  	s6 =	sld [smem:$0x3FB2]  }
0x2c: {  	s7 =	sld [smem:$0x3FB3]  }
0x2d: {  	s3 =	simm.s32 $0x108;
	s8 =	sld [smem:$0x3FB4]  }
0x2e: {  	s3 =	simm.s32 @!p0 $0x1082;
	s9 =	sld [smem:$0x3FB5]  }
0x2f: {  	lr =	sadd.s32 s0, s3;
	s0 =	sld [smem:$0x3FAC]  }
0x30: {  	s3 =	sld [smem:$0x3FAF]  }
0x31: {  	[smem:$0x3FB8] =	sst s10  }
0x32: {  	s10 =	sld [smem:$0x3FB6];
	_ =	sdelay $0x3  }
0x33: {  	p0 =	seq.s32 s10, $0x1;
	s10 =	sld [smem:$0x3FB8];
	_ =	sdelay $0x3  }
0x34: {  	[smem:$0x3FB8] =	sst s10  }
0x35: {  	s10 =	sld [smem:$0x3FB7];
	_ =	sdelay $0x3  }
0x36: {  	p1 =	seq.s32 s10, $0x1;
	s10 =	sld [smem:$0x3FB8];
	_ =	sdelay $0x3  }
0x37: {  	[smem:$0x3FB8] =	sst s10  }
0x38: {  	s10 =	sld [smem:$0x3FB9]  }
0x39: {  	_ = 	snop;
	(pc) =	sbr.ind lr, $3  }
0x3a: {  	_ = 	snop  }
0x3b: {  	_ = 	snop  }
0x3c: {  	p2 =	seq.s32 s10, $0x1;
	s10 =	sld [smem:$0x3FB8]  }
0x3d: {  	_ =	shalt  }
0x3e: {  	_ =	shalt  }
0x3f: {  	_ =	shalt  }
0x40: {  	_ =	shalt  }
0x41: {  	_ =	shalt  }
0x42: {  	_ =	shalt  }
0x43: {  	_ =	shalt  }
0x44: {  	_ =	shalt  }
0x45: {  	_ =	shalt  }
0x46: {  	_ =	shalt  }
0x47: {  	_ =	shalt  }
0x48: {  	_ =	shalt  }
0x49: {  	_ =	shalt  }
0x4a: {  	_ =	shalt  }
0x4b: {  	_ =	shalt  }
0x4c: {  	_ =	shalt  }
0x4d: {  	_ =	shalt  }
0x4e: {  	_ =	shalt  }
0x4f: {  	_ =	shalt  }
0x50: {  	_ =	shalt  }
0x51: {  	_ =	shalt  }
0x52: {  	_ =	shalt  }
0x53: {  	_ =	shalt  }
0x54: {  	_ =	shalt  }
0x55: {  	_ =	shalt  }
0x56: {  	_ =	shalt  }
0x57: {  	_ =	shalt  }
0x58: {  	_ =	shalt  }
0x59: {  	_ =	shalt  }
0x5a: {  	_ =	shalt  }
0x5b: {  	_ =	shalt  }
0x5c: {  	_ =	shalt  }
0x5d: {  	_ =	shalt  }
0x5e: {  	_ =	shalt  }
0x5f: {  	_ =	shalt  }
0x60: {  	_ =	shalt  }
0x61: {  	_ =	shalt  }
0x62: {  	_ =	shalt  }
0x63: {  	_ =	shalt  }
0x64: {  	_ =	shalt  }
0x65: {  	_ =	shalt  }
0x66: {  	_ =	shalt  }
0x67: {  	_ =	shalt  }
0x68: {  	_ =	shalt  }
0x69: {  	_ =	shalt  }
0x6a: {  	_ =	shalt  }
0x6b: {  	_ =	shalt  }
0x6c: {  	_ =	shalt  }
0x6d: {  	_ =	shalt  }
0x6e: {  	_ =	shalt  }
0x6f: {  	_ =	shalt  }
0x70: {  	_ =	shalt  }
0x71: {  	_ =	shalt  }
0x72: {  	_ =	shalt  }
0x73: {  	_ =	shalt  }
0x74: {  	_ =	shalt  }
0x75: {  	_ =	shalt  }
0x76: {  	_ =	shalt  }
0x77: {  	_ =	shalt  }
0x78: {  	_ =	shalt  }
0x79: {  	_ =	shalt  }
0x7a: {  	_ =	shalt  }
0x7b: {  	_ =	shalt  }
0x7c: {  	_ =	shalt  }
0x7d: {  	_ =	shalt  }
0x7e: {  	_ =	shalt  }
0x7f: {  	_ =	shalt  }
0x80: {  	_ =	shalt  }
0x81: {  	_ =	shalt  }
0x82: {  	_ =	shalt  }
0x83: {  	_ =	shalt  }
0x84: {  	_ =	shalt  }
0x85: {  	_ =	shalt  }
0x86: {  	_ =	shalt  }
0x87: {  	_ =	shalt  }
.Lfunc_end0:
.L_simem_size_0:
called_computation_lowered:
.L_overlay_start_0:
0x88: {  	s2 =	sld [smem:$0x3FD9]  }
0x89: {  	s3 =	sld [smem:$0x3FFE];
	_ =	sdelay $0x1  }
0x8a: {  	s1 =	srdreg.scid  }
0x8b: {  	s0 =	sand.u32 $0x1, s1  }
0x8c: {  	s17 =	sshll.u32 s0, $0xA;
	s2 =	sadd.s32 s3, s2  }
0x8d: {  	s2 =	sadd.s32 s2, s17  }
0x8e: {  	[smem:$0x3FC4] =	sst s2  }
0x8f: {  	_ = 	snop  }
0x90: {  	s2 =	sld [smem:$0x3FD0];
	(tm) =	ssettm $0x1  }
0x91: {  	s18 =	sld [smem:$0x3FFB];
	_ =	sdelay $0x3  }
0x92: {  	_ =	strace s18  }
0x93: {  	s3 =	sld [smem:$0x3FFC];
	_ =	sdelay $0x3  }
0x94: {  	_ =	strace s3  }
0x95: {  	s3 =	sld [smem:$0x3FFD];
	_ =	sdelay $0x3  }
0x96: {  	_ =	strace s3  }
0x97: {  	_ =	strace $0x8FFFFFFF  }
0x98: {  	s19 =	sld [smem:$0x3FDB];
	_ =	sdelay $0x1  }
0x99: {  	s4 =	simm.s32 $_scs_section_size  }
0x9a: {  	s5 =	simm.s32 $_size__tile_overlayer_lowered;
	s6 =	simm.s32 $_tile_overlayer_lowered  }
0x9b: {  	s22 =	simm.s32 $0x1BFF;
	s21 =	sshll.u32 s6, $0x1;
	s3 =	sadd.s32 s4, s19  }
0x9c: {  	s7 =	simm.s32 $0x0;
	s20 =	sshll.u32 s5, $0x1;
	s5 =	sadd.s32 s21, s3  }
0x9d: {  	[timem:s7], [sflag:s22] =	dma.local [hbm:s5], s20  }
0x9e: {  	_ =	swait.ge [sflag:s22], s20  }
0x9f: {  	s4 =	ssub.s32 $0x0, s20;
	[sflag:s22] =	ssyncset.done $0x0  }
0xa0: {  	[sflag:s22] =	ssyncadd.s32 s4;
	_ =	sdelay $0x1  }
0xa1: {  	s23 =	simm.s32 $0x1B8B  }
0xa2: {  	_ =	swait.ge [sflag:s23], $0x1  }
0xa3: {  	[sflag:s23] =	ssyncset.done $0x0  }
0xa4: {  	s25 =	simm.s32 $0x1B8E;
	s24 =	sld [smem:$0x3FFE];
	[sflag:s23] =	ssyncadd.s32 $0xFFFFFFFF  }
0xa5: {  	s26 =	simm.s32 $execute0_lowered;
	[smem:$0x3FD2] =	sst s25  }
0xa6: {  	s5 =	sshll.u32 s26, $0x1;
	_ =	strace $0x80000046;
	[dreg:$0x1] =	wrdreg $0xFFFFFFFF  }
0xa7: {  	s28 =	simm.s32 $_size_execute0_lowered;
	s3 =	sadd.s32 s3, s5;
	[dreg:$0x0] =	wrdreg $0x0  }
0xa8: {  	s5 =	sshll.u32 s28, $0x1;
	[dreg:$0x2] =	wrdreg s3  }
0xa9: {  	[dreg:$0x3] =	wrdreg s5  }
0xaa: {  	[dreg:$0x4] =	wrdreg $0xC0  }
0xab: {  	_ =	task [dreg:s7], $0x5FFFF  }
0xac: {  	[dreg:$0x1] =	wrdreg $0xFFFFFFFF  }
0xad: {  	[dreg:$0x0] =	wrdreg $0x60  }
0xae: {  	[dreg:$0x2] =	wrdreg s24  }
0xaf: {  	[dreg:$0x3] =	wrdreg s2  }
0xb0: {  	[dreg:$0x4] =	wrdreg $0x9  }
0xb1: {  	_ =	task.clear_ibuf [dreg:s7], $0x5FFFF;
	_ =	strace $0x90000046  }
0xb2: {  	s29 =	simm.s32 $0x9;
	_ =	strace $0x80000048  }
0xb3: {  	_ =	swait.ge [sflag:s29], $0x1  }
0xb4: {  	[sflag:s29] =	ssyncadd.s32 $0xFFFFFFFF  }
0xb5: {  	_ =	strace $0x90000048  }
0xb6: {  	_ =	sfence  }
0xb7: {  	s30 =	sld [smem:$0x0];
	_ =	sdelay $0x2  }
0xb8: {  	s31 =	sshll.u32 s1, $0xD;
	s1 =	sshrl.u32 s1, $0x2  }
0xb9: {  	s3 =	sand.u32 $0x4000, s31;
	s1 =	sadd.s32 s1, s30  }
0xba: {  	s0 =	sor.u32 s3, s0;
	s1 =	sshll.u32 s1, $0x11  }
0xbb: {  	s0 =	sor.u32 s1, s0  }
0xbc: {  	s0 =	sadd.s32 $0x8F2B, s0  }
0xbd: {  	[sflag:s0] =	ssyncadd.remote.s32 $0x1  }
0xbe: {  	_ =	sfence.sel $0xFFFF  }
0xbf: {  	[dreg:$0x0] =	wrdreg $0xFFFFFFFF;
	(pc) =	sbr.abs _section_cstart, $3  }
0xc0: {  	[dreg:$0x1] =	wrdreg $0xFFFFFFFF  }
0xc1: {  	_ =	task.clear_ibuf [dreg:s7], $0x2FFFF;
	_ =	strace $0x9FFFFFFF  }
0xc2: {  	(tm) =	ssettm $0x7FFFFFFF  }
0xc3: {  	_ =	shalt  }
tec
execute0_lowered:
.L_overlay_start_1:
0x0: {  	(tag) =	ssettag $0x1  }
0x1: {  	s1 =	srdreg.scid  }
0x2: {  	s0 =	stileid.u32;
	s5 =	sand.u32 $0x1, s1  }
0x3: {  	s6 =	rddreg [dreg:$0x0];
	s31 =	sshll.u32 s0, $0x7;
	s2 =	sshll.u32 s5, $0x6  }
0x4: {  	s10 =	rddreg [dreg:$0x1];
	s11 =	sor.u32 s2, s31  }
0x5: {  	s1 =	rddreg [dreg:$0x2];
	s2 =	simm.s32 $0x0;
	s3 =	sshrl.u32 s11, $0x3  }
0x6: {  	[smem:$0x7FF] =	sst s2;
	s3 =	sadd.s32 s3, s6  }
0x7: {  	_ =	strace $0x80000047;
	s4 =	sadd.s32 $0x1800, s3;
	s3 =	simm.s32 $0x2  }
0x8: {  	[tilespmem:s2], [sflag:$0x2] =	stream.linear.gather [hbm4b:s4+s2], $0x40, $0x38;
	[tilespmem:$0x2100] =	vst v63  }
0x9: {  	_ =	swait.ge [sflag:s3], $0x40  }
0xa: {  	[sflag:s3] =	ssyncset.done $0x0  }
0xb: {  	[sflag:s3] =	ssyncadd.s32 $0xFFFFFFC0  }
0xc: {  	v0 =	vld [tilespmem:$0x30]  }
0xd: {  	v1 =	vld [tilespmem:$0x20]  }
0xe: {  	v2 =	vld [tilespmem:$0x0]  }
0xf: {  	v3 =	vld [tilespmem:$0x10]  }
0x10: {  	s7 =	ssub.s32 $0x2, s5  }
0x11: {  	s8 =	sshrl.u32 s7, $0x1;
	v0 =	vshra.s32 v0, $0x3  }
0x12: {  	s12 =	ssub.s32 s7, s8;
	v1 =	vshra.s32 v1, $0x3;
	[tilespmem:$0xB0] =	vst v0  }
0x13: {  	s9 =	simm.s32 $0x1;
	s12 =	smax.u32 s12, $0x1;
	v62 =	vshra.s32 v2, $0x3;
	[tilespmem:$0xA0] =	vst v1  }
0x14: {  	s5 =	sadd.s32 $0x1A00, s6;
	s8 =	simm.s32 $0x80;
	p0 =	sne.s32 s12, $0x1;
	v63 =	vshra.s32 v3, $0x3;
	[tilespmem:$0x80] =	vst v62  }
.Ltmp0:
0x15: {  	s7 =	simm.s32 $0x100;
	s6 =	simm.s32 $0x40;
	[tilespmem:$0x90] =	vst v63;
	(pc) =	sbr.rel @!p0 .LBB2_2-.Ltmp0, $4  }
0x16: {  	[tilespmem:s7], [sflag:$0x1] =	stream.indirect.gather [hbm4b:s5+s6], $0x80, s8, s6, $0xb8;
	[tilespmem:$0x2100] =	vst v63  }
0x17: {  	_ =	swait.ge [sflag:s9], $0x2000  }
0x18: {  	s11 =	sshll.u32 s11, $0x4;
	[sflag:s9] =	ssyncset.done $0x0  }
0x19: {  	s10 =	sadd.s32 s10, s11;
	s11 =	sadd.s32 $0xFFFFFFFF, s12;
	[sflag:s9] =	ssyncadd.s32 $0xFFFFE000  }
.LBB2_1:
0x1a: {  	[hbm4b:s10+s2] =	stream.linear.scatter [tilespmem:s7], [sflag:$0x2], $0x2000, $0x38;
	[tilespmem:$0x2100] =	vst v63  }
0x1b: {  	p0 =	sne.s32 s11, $0x1;
	s11 =	sadd.s32 $0xFFFFFFFF, s11;
	_ =	swait.ge [sflag:s3], $0x2000  }
0x1c: {  	[sflag:s3] =	ssyncset.done $0x0  }
0x1d: {  	[sflag:s3] =	ssyncadd.s32 $0xFFFFE000  }
0x1e: {  	[tilespmem:s2], [sflag:$0x2] =	stream.linear.gather [hbm4b:s4+s2], $0x40, $0x38;
	[tilespmem:$0x2100] =	vst v63  }
0x1f: {  	_ =	swait.ge [sflag:s3], $0x40  }
0x20: {  	[sflag:s3] =	ssyncset.done $0x0  }
0x21: {  	[sflag:s3] =	ssyncadd.s32 $0xFFFFFFC0  }
0x22: {  	v0 =	vld [tilespmem:$0x30]  }
0x23: {  	v1 =	vld [tilespmem:$0x20]  }
0x24: {  	v2 =	vld [tilespmem:$0x0]  }
0x25: {  	v3 =	vld [tilespmem:$0x10];
	_ =	sdelay $0x1  }
0x26: {  	v0 =	vshra.s32 v0, $0x3  }
0x27: {  	v1 =	vshra.s32 v1, $0x3;
	[tilespmem:$0xB0] =	vst v0  }
0x28: {  	v0 =	vshra.s32 v2, $0x3;
	[tilespmem:$0xA0] =	vst v1  }
0x29: {  	[tilespmem:$0x80] =	vst v0;
	v0 =	vshra.s32 v3, $0x3  }
.Ltmp1:
0x2a: {  	[tilespmem:$0x90] =	vst v0;
	(pc) =	sbr.rel @p0 .LBB2_1-.Ltmp1, $4  }
0x2b: {  	[tilespmem:s7], [sflag:$0x1] =	stream.indirect.gather [hbm4b:s5+s6], $0x80, s8, s6, $0xb8;
	[tilespmem:$0x2100] =	vst v63  }
0x2c: {  	_ =	swait.ge [sflag:s9], $0x2000  }
0x2d: {  	[sflag:s9] =	ssyncset.done $0x0  }
0x2e: {  	[sflag:s9] =	ssyncadd.s32 $0xFFFFE000  }
.LBB2_2:
0x2f: {  	[hbm4b:s10+s2] =	stream.linear.scatter [tilespmem:s7], [sflag:$0x2], $0x2000, $0x38;
	[tilespmem:$0x2100] =	vst v63  }
0x30: {  	_ =	swait.ge [sflag:s3], $0x2000  }
0x31: {  	[sflag:s3] =	ssyncset.done $0x0  }
0x32: {  	[sflag:s3] =	ssyncadd.s32 $0xFFFFE000  }
0x33: {  	_ =	sfence.sel $0x180000  }
0x34: {  	[bflag:$0x0] =	sbarrier.arrive $0xFFFF  }
0x35: {  	p0 =	sne.s32 s0, $0x0;
	_ =	strace $0x90000047  }
0x36: {  	s0 =	sadd.s32 @!p0 $0x100000, s1;
	[bflag:$0x2] =	sbarrier.arrive $0xFFFF  }
0x37: {  	[sflag:s0] =	ssyncadd.tile.s32 @!p0 $0x1;
	_ =	shalt  }
.Lfunc_end2:
_tile_overlayer_lowered:
.L_overlay_start_2:
0x38: {  	(tag) =	ssettag $0x2  }
0x39: {  	s0 =	rddreg [dreg:$0x0];
	s2 =	stileid.u32  }
0x3a: {  	s1 =	rddreg [dreg:$0x1];
	p0 =	sne.s32 s2, $0x0  }
0x3b: {  	s3 =	rddreg [dreg:$0x2];
	[bflag:$0x3] =	sbarrier.arrive $0xFFFF;
	s2 =	simm.s32 @!p0 $0x1C02  }
0x3c: {  	[timem:s3], [sflag:s2] =	dma.local @!p0 [hbm:s0], s1  }
0x3d: {  	s0 =	simm.s32 @!p0 $0x2  }
0x3e: {  	_ =	swait.ge @!p0 [sflag:s0], s1  }
0x3f: {  	s1 =	ssub.s32 @!p0 $0x0, s1;
	[sflag:s0] =	ssyncset.done @!p0 $0x0  }
0x40: {  	[sflag:s0] =	ssyncadd.s32 @!p0 s1  }
0x41: {  	[bflag:$0x3] =	sbarrier.arrive $0xFFFF  }
0x42: {  	_ =	shalt  }

</sc_bundles>
